<compile_context>
chip_gen: v7x
topology: tpu7x:2x2x1
jax: 0.10.2.dev20260603
libtpu: 0.0.44.dev20260713+nightly
codegen_flags: <defaults>
</compile_context>

<pallas_src>
import functools

import jax
import jax.numpy as jnp
from jax import lax
from jax.experimental import pallas as pl
from jax.experimental.pallas import tpu as pltpu
from jax.experimental.pallas import tpu_sc as plsc

N = 10000
D = 128
NPAD = 10240
PAD_ROW = NPAD - 1
NC = 2
NS = 16
NW = NC * NS
CH = 128
ROWS_PER_TILE = NPAD // NS
BLK = 512
SPLIT0 = 0.9


def _cdiv(a, b):
    return (a + b - 1) // b



def _sc_mesh():
    return plsc.VectorSubcoreMesh(core_axis_name="c", subcore_axis_name="s")


@functools.partial(jax.jit, static_argnames=("cpw",))
def _sc_degree(dst2d, zerosf, onesf, *, cpw):

    @functools.partial(
        pl.kernel,
        out_type=jax.ShapeDtypeStruct((NC, NPAD, D), jnp.float32),
        mesh=_sc_mesh(),
        scratch_types=[
            pltpu.VMEM((cpw, CH), jnp.int32),
            pltpu.VMEM((CH, D), jnp.float32),
            pltpu.VMEM_SHARED((NPAD, D), jnp.float32),
        ],
    )
    def deg_kernel(dst_hbm, z_hbm, ones_hbm, out_hbm, dsts_v, ones_v, acc_sh):
        c = lax.axis_index("c")
        s = lax.axis_index("s")
        wid = c * NS + s
        r0 = s * ROWS_PER_TILE
        pltpu.sync_copy(dst_hbm.at[pl.ds(wid * cpw, cpw)], dsts_v)
        pltpu.sync_copy(z_hbm.at[pl.ds(r0, ROWS_PER_TILE)],
                        acc_sh.at[pl.ds(r0, ROWS_PER_TILE)])
        pltpu.sync_copy(ones_hbm, ones_v)
        plsc.subcore_barrier()

        def body(j, carry):
            pltpu.sync_copy(ones_v, acc_sh.at[dsts_v.at[j]], add=True)
            return carry

        lax.fori_loop(0, cpw, body, 0)
        plsc.subcore_barrier()
        pltpu.sync_copy(acc_sh.at[pl.ds(r0, ROWS_PER_TILE)],
                        out_hbm.at[c, pl.ds(r0, ROWS_PER_TILE)])

    return deg_kernel(dst2d, zerosf, onesf)


@functools.partial(jax.jit, static_argnames=("cpw0", "cpw1"))
def _sc_scatter(packed2d, g, zerosf, *, cpw0, cpw1):

    @functools.partial(
        pl.kernel,
        out_type=jax.ShapeDtypeStruct((NC, NPAD, D), jnp.float32),
        mesh=_sc_mesh(),
        scratch_types=[
            pltpu.VMEM((max(cpw0, cpw1) // 2, CH), jnp.int32),
            pltpu.VMEM((CH,), jnp.int32),
            pltpu.VMEM((CH,), jnp.int32),
            pltpu.VMEM((CH,), jnp.int32),
            pltpu.VMEM((CH,), jnp.int32),
            pltpu.VMEM((CH, D), jnp.float32),
            pltpu.VMEM((CH, D), jnp.float32),
            pltpu.VMEM_SHARED((NPAD, D), jnp.float32),
            pltpu.SemaphoreType.DMA,
            pltpu.SemaphoreType.DMA,
        ],
    )
    def msg_kernel(packed_hbm, g_hbm, z_hbm, out_hbm,
                   idx_v, src0, src1, dst0, dst1, buf0, buf1, acc_sh,
                   sem0, sem1):
        c = lax.axis_index("c")
        s = lax.axis_index("s")
        r0 = s * ROWS_PER_TILE
        bufs = (buf0, buf1)
        srcb = (src0, src1)
        dstb = (dst0, dst1)
        sems = (sem0, sem1)
        nch = jnp.where(c == 0, cpw0, cpw1)
        hch = nch // 2
        row0 = jnp.where(c == 0, s * cpw0, NS * cpw0 + s * cpw1)
        maxh = max(cpw0, cpw1) // 2

        def unpack(j, b):
            for k in range(CH // 16):
                p = idx_v[j, pl.ds(k * 16, 16)]
                srcb[b][pl.ds(k * 16, 16)] = p & 0x3FFF
                dstb[b][pl.ds(k * 16, 16)] = p >> 14

        pltpu.sync_copy(z_hbm.at[pl.ds(r0, ROWS_PER_TILE)],
                        acc_sh.at[pl.ds(r0, ROWS_PER_TILE)])
        plsc.subcore_barrier()

        def chunk(j, b):
            @pl.when(j + 1 < hch)
            def _():
                unpack(j + 1, 1 - b)
                pltpu.async_copy(g_hbm.at[srcb[1 - b]],
                                 bufs[1 - b], sems[1 - b])
            pltpu.make_async_copy(g_hbm.at[srcb[b]],
                                  bufs[b], sems[b]).wait()
            pltpu.sync_copy(bufs[b], acc_sh.at[dstb[b]], add=True)

        def body(t, carry):
            chunk(2 * t, 0)
            chunk(2 * t + 1, 1)
            return carry

        for h in range(2):
            pltpu.sync_copy(
                packed_hbm.at[pl.ds(pl.multiple_of(row0 + h * hch, 8), maxh)],
                idx_v)
            unpack(0, 0)

            @pl.when(hch > 0)
            def _():
                pltpu.async_copy(g_hbm.at[srcb[0]], buf0, sem0)

            lax.fori_loop(0, hch // 2, body, 0)
        plsc.subcore_barrier()
        pltpu.sync_copy(acc_sh.at[pl.ds(r0, ROWS_PER_TILE)],
                        out_hbm.at[c, pl.ds(r0, ROWS_PER_TILE)])

    return msg_kernel(packed2d, g, zerosf)



_HI = jax.lax.Precision.HIGHEST


def _dinv_g1_body(dega_ref, degb_ref, x_ref, w_ref, dinv_ref, g_ref):
    i = pl.program_id(0)
    deg = dega_ref[...][:, :1] + degb_ref[...][:, :1] + 1.0
    rows = i * BLK + lax.broadcasted_iota(jnp.int32, (BLK, 1), 0)
    dinv = jnp.where(rows < N, lax.rsqrt(deg), 0.0)
    dinvm = jnp.broadcast_to(dinv, (BLK, D))
    dinv_ref[...] = dinvm
    g_ref[...] = jnp.dot(x_ref[...], w_ref[...],
                         preferred_element_type=jnp.float32,
                         precision=_HI) * dinvm


@jax.jit
def _tc_dinv_g1(dega, degb, x_p, W1):
    grid = (NPAD // BLK,)
    blk = pl.BlockSpec((BLK, D), lambda i: (i, 0))
    return pl.pallas_call(
        _dinv_g1_body,
        grid=grid,
        in_specs=[blk, blk, blk, pl.BlockSpec((D, D), lambda i: (0, 0))],
        out_specs=[blk, blk],
        out_shape=[
            jax.ShapeDtypeStruct((NPAD, D), jnp.float32),
            jax.ShapeDtypeStruct((NPAD, D), jnp.float32),
        ],
    )(dega, degb, x_p, W1)


def _layer_body(acca_ref, accb_ref, g_ref, dinv_ref, b_ref, xprev_ref,
                wa_ref, wb_ref, xo_ref, go_ref):
    dm = dinv_ref[...]
    xn = jnp.maximum((acca_ref[...] + accb_ref[...] + g_ref[...]) * dm
                     + b_ref[...], 0.0)
    xo_ref[...] = xn
    go_ref[...] = (jnp.dot(xn, wa_ref[...],
                           preferred_element_type=jnp.float32, precision=_HI)
                   + jnp.dot(xprev_ref[...], wb_ref[...],
                             preferred_element_type=jnp.float32,
                             precision=_HI)) * dm


@jax.jit
def _tc_layer(acca, accb, g, dinvm, b, xprev, Wa, Wb):
    grid = (NPAD // BLK,)
    blk = pl.BlockSpec((BLK, D), lambda i: (i, 0))
    return pl.pallas_call(
        _layer_body,
        grid=grid,
        in_specs=[
            blk, blk, blk, blk,
            pl.BlockSpec((1, D), lambda i: (0, 0)),
            blk,
            pl.BlockSpec((D, D), lambda i: (0, 0)),
            pl.BlockSpec((D, D), lambda i: (0, 0)),
        ],
        out_specs=[blk, blk],
        out_shape=[
            jax.ShapeDtypeStruct((NPAD, D), jnp.float32),
            jax.ShapeDtypeStruct((NPAD, D), jnp.float32),
        ],
    )(acca, accb, g, dinvm, b, xprev, Wa, Wb)


def _final_body(acca_ref, accb_ref, g_ref, dinv_ref, b_ref, o_ref):
    o_ref[...] = ((acca_ref[...] + accb_ref[...] + g_ref[...])
                  * dinv_ref[...] + b_ref[...])


@jax.jit
def _tc_final(acca, accb, g, dinvm, b):
    grid = (NPAD // BLK,)
    blk = pl.BlockSpec((BLK, D), lambda i: (i, 0))
    return pl.pallas_call(
        _final_body,
        grid=grid,
        in_specs=[blk, blk, blk, blk, pl.BlockSpec((1, D), lambda i: (0, 0))],
        out_specs=blk,
        out_shape=jax.ShapeDtypeStruct((NPAD, D), jnp.float32),
    )(acca, accb, g, dinvm, b)



def kernel(x, edge_index, percent, ricci_curvature, W1, b1, W2, b2, W3, b3):
    del percent, ricci_curvature
    E = edge_index.shape[1]
    cpw = 2 * _cdiv(E, NW * CH * 2)
    EPAD = NW * cpw * CH
    total = NW * cpw
    cpw0 = 16 * int(round(total * SPLIT0 / NS / 16))
    cpw1 = total // NS - cpw0

    pad = jnp.full((EPAD - E,), PAD_ROW, dtype=edge_index.dtype)
    src_p = jnp.concatenate([edge_index[0], pad])
    dst_p = jnp.concatenate([edge_index[1], pad]).reshape(NW * cpw, CH)
    packed = (src_p + (dst_p.reshape(-1) << 14)).reshape(NW * cpw, CH)
    ptail = jnp.full((max(cpw0, cpw1), CH), PAD_ROW + (PAD_ROW << 14),
                     dtype=jnp.int32)
    packed2d = jnp.concatenate([packed, ptail], axis=0)
    x_p = jnp.pad(x, ((0, NPAD - N), (0, 0)))
    onesf = jnp.ones((CH, D), jnp.float32)
    zerosf = jnp.zeros((NPAD, D), jnp.float32)

    degp = _sc_degree(dst_p, zerosf, onesf, cpw=cpw)
    dinvm, g1 = _tc_dinv_g1(degp[0], degp[1], x_p, W1)

    acc1 = _sc_scatter(packed2d, g1, zerosf, cpw0=cpw0, cpw1=cpw1)
    x1, g2 = _tc_layer(acc1[0], acc1[1], g1, dinvm, b1.reshape(1, D),
                       x_p, W2[:D], W2[D:])

    acc2 = _sc_scatter(packed2d, g2, zerosf, cpw0=cpw0, cpw1=cpw1)
    x2, g3 = _tc_layer(acc2[0], acc2[1], g2, dinvm, b2.reshape(1, D),
                       x1, W3[:D], W3[D:])

    acc3 = _sc_scatter(packed2d, g3, zerosf, cpw0=cpw0, cpw1=cpw1)
    out = _tc_final(acc3[0], acc3[1], g3, dinvm, b3.reshape(1, D))

    return out[:N], x1[:N], x2[:N]

# --- scband reference (transcript-rebuilt; emitter-appended) ---
"""Pipeline reference for scband-res-gcn-56307021250673 (READ-ONLY COPY).

The authoritative reference and input builder live on the scoring server;
editing this copy changes nothing except your own understanding.
"""

import jax, jax.numpy as jnp
import numpy as np

N = 10000
E = 320000
D_IN = 128
H = 128
D_OUT = 128


def setup_inputs(seed: int = 0) -> dict:
    key = jax.random.key(seed)
    ks = jax.random.split(key, 10)
    x = jax.random.normal(ks[0], (N, D_IN), dtype=jnp.float32)
    edge_index = jax.random.randint(ks[1], (2, E), 0, N, dtype=jnp.int32)
    ricci_curvature = jax.random.normal(ks[2], (E,), dtype=jnp.float32)
    # GCNConv parameters (weight [in, out] so we apply x @ W, plus bias)
    W1 = jax.random.normal(ks[3], (D_IN, H), dtype=jnp.float32) * 0.05
    b1 = jnp.zeros((H,), dtype=jnp.float32)
    W2 = jax.random.normal(ks[4], (D_IN + H, H), dtype=jnp.float32) * 0.05
    b2 = jnp.zeros((H,), dtype=jnp.float32)
    W3 = jax.random.normal(ks[5], (2 * H, D_OUT), dtype=jnp.float32) * 0.05
    b3 = jnp.zeros((D_OUT,), dtype=jnp.float32)
    return {
        "x": x,
        "edge_index": edge_index,
        "percent": 50,
        "ricci_curvature": ricci_curvature,
        "W1": W1, "b1": b1,
        "W2": W2, "b2": b2,
        "W3": W3, "b3": b3,
    }


def _gcn_conv(x, src, dst, norm, W, b):
    # PyG GCNConv: x' = D^{-1/2} (A + I) D^{-1/2} X W + b
    n = x.shape[0]
    h = x @ W
    msg = jnp.take(h, src, axis=0) * norm[:, None]
    out = jnp.zeros((n, W.shape[1]), dtype=h.dtype).at[dst].add(msg)
    return out + b


def _prep_edges(edge_index, n):
    loop = jnp.arange(n, dtype=edge_index.dtype)
    src = jnp.concatenate([edge_index[0], loop])
    dst = jnp.concatenate([edge_index[1], loop])
    deg = jnp.zeros((n,), dtype=jnp.float32).at[dst].add(1.0)
    dinv = jnp.where(deg > 0, 1.0 / jnp.sqrt(deg), 0.0)
    norm = jnp.take(dinv, src) * jnp.take(dinv, dst)
    return src, dst, norm


def reference(x, edge_index, percent, ricci_curvature, W1, b1, W2, b2, W3, b3):
    # Eval mode: no sampling / dynamic organization, dropout inactive, withbn=False.
    n = x.shape[0]
    src, dst, norm = _prep_edges(edge_index, n)
    x_input = x
    # layer 1
    x1 = jax.nn.relu(_gcn_conv(x, src, dst, norm, W1, b1))
    h = jnp.concatenate([x1, x_input], axis=1)
    # layer 2
    x2 = jax.nn.relu(_gcn_conv(h, src, dst, norm, W2, b2))
    h = jnp.concatenate([x2, x1], axis=1)
    # output layer (num_layers == 3, so no intermediate convs loop)
    out = _gcn_conv(h, src, dst, norm, W3, b3)
    return (out, x1, x2)

if __name__ == "__main__":
    import jax
    _d = setup_inputs()
    print(jax.jit(kernel)(*tuple(_d.values())))

</pallas_src>

<mosaic_0001>
#map = affine_map<(d0, d1) -> (0, 0)>
#map1 = affine_map<(d0, d1) -> (0, 0, 0)>
module attributes {stable_mosaic.version = 14 : i64} {
  func.func @deg_kernel(%arg0: i32, %arg1: i32, %arg2: memref<2560x128xi32, #tpu.memory_space<hbm>>, %arg3: memref<10240x128xf32, #tpu.memory_space<hbm>>, %arg4: memref<128x128xf32, #tpu.memory_space<hbm>>, %arg5: memref<2x10240x128xf32, #tpu.memory_space<hbm>>, %arg6: memref<80x128xi32, #tpu.memory_space<vmem>>, %arg7: memref<128x128xf32, #tpu.memory_space<vmem>>, %arg8: memref<10240x128xf32, #tpu.memory_space<vmem_shared>>) attributes {dimension_semantics = [#tpu.dimension_semantics<core_parallel>, #tpu.dimension_semantics<subcore_parallel>], iteration_bounds = array<i64: 2, 16>, scalar_prefetch = 0 : i64, scratch_operands = 3 : i64, tpu.core_type = #tpu.core_type<sc_vector_subcore>, window_params = [{transform_indices = #map}, {transform_indices = #map}, {transform_indices = #map}, {transform_indices = #map1}]} {
    %mul3A = arith.constant 16 : i32
    %mul3A_0 = arith.muli %arg0, %mul3A : i32
    %add3A = arith.addi %mul3A_0, %arg1 : i32
    %mul3A_1 = arith.constant 640 : i32
    %mul3A_2 = arith.muli %arg1, %mul3A_1 : i32
    %mul3A_3 = arith.constant 80 : i32
    %mul3A_4 = arith.muli %add3A, %mul3A_3 : i32
    "tpu.region"() ({
      %run_scoped3A = tpu.sem_alloc : memref<!tpu.dma_semaphore, #tpu.memory_space<semaphore_mem>>
      %dma_start3A = arith.constant 0 : i32
      %dma_start3A_11 = tpu.memref_slice %arg2[%mul3A_4, %dma_start3A] : memref<2560x128xi32, #tpu.memory_space<hbm>> -> memref<80x128xi32, #tpu.memory_space<hbm>>
      %dma_start3A_12 = arith.constant 0 : i32
      %dma_start3A_13 = tpu.memref_slice %arg2[%mul3A_4, %dma_start3A_12] : memref<2560x128xi32, #tpu.memory_space<hbm>> -> memref<80x128xi32, #tpu.memory_space<hbm>>
      tpu.enqueue_dma source(%dma_start3A_13 : memref<80x128xi32, #tpu.memory_space<hbm>>) target(%arg6 : memref<80x128xi32, #tpu.memory_space<vmem>>) target_semaphore(%run_scoped3A : memref<!tpu.dma_semaphore, #tpu.memory_space<semaphore_mem>>)
      %dma_wait3A = arith.constant 0 : i32
      %dma_wait3A_14 = tpu.memref_slice %arg2[%mul3A_4, %dma_wait3A] : memref<2560x128xi32, #tpu.memory_space<hbm>> -> memref<80x128xi32, #tpu.memory_space<hbm>>
      %dma_wait3A_15 = arith.constant 0 : i32
      %dma_wait3A_16 = tpu.memref_slice %arg2[%mul3A_4, %dma_wait3A_15] : memref<2560x128xi32, #tpu.memory_space<hbm>> -> memref<80x128xi32, #tpu.memory_space<hbm>>
      tpu.wait_dma2 semaphore(%run_scoped3A : memref<!tpu.dma_semaphore, #tpu.memory_space<semaphore_mem>>) src(%dma_wait3A_16 : memref<80x128xi32, #tpu.memory_space<hbm>>) dst(%arg6 : memref<80x128xi32, #tpu.memory_space<vmem>>)
      tpu.yield
    }) : () -> ()
    "tpu.region"() ({
      %run_scoped3A = tpu.sem_alloc : memref<!tpu.dma_semaphore, #tpu.memory_space<semaphore_mem>>
      %dma_start3A = arith.constant 0 : i32
      %dma_start3A_11 = tpu.memref_slice %arg8[%mul3A_2, %dma_start3A] : memref<10240x128xf32, #tpu.memory_space<vmem_shared>> -> memref<640x128xf32, #tpu.memory_space<vmem_shared>>
      %dma_start3A_12 = arith.constant 0 : i32
      %dma_start3A_13 = tpu.memref_slice %arg3[%mul3A_2, %dma_start3A_12] : memref<10240x128xf32, #tpu.memory_space<hbm>> -> memref<640x128xf32, #tpu.memory_space<hbm>>
      tpu.enqueue_dma source(%dma_start3A_13 : memref<640x128xf32, #tpu.memory_space<hbm>>) target(%dma_start3A_11 : memref<640x128xf32, #tpu.memory_space<vmem_shared>>) target_semaphore(%run_scoped3A : memref<!tpu.dma_semaphore, #tpu.memory_space<semaphore_mem>>)
      %dma_wait3A = arith.constant 0 : i32
      %dma_wait3A_14 = tpu.memref_slice %arg8[%mul3A_2, %dma_wait3A] : memref<10240x128xf32, #tpu.memory_space<vmem_shared>> -> memref<640x128xf32, #tpu.memory_space<vmem_shared>>
      %dma_wait3A_15 = arith.constant 0 : i32
      %dma_wait3A_16 = tpu.memref_slice %arg3[%mul3A_2, %dma_wait3A_15] : memref<10240x128xf32, #tpu.memory_space<hbm>> -> memref<640x128xf32, #tpu.memory_space<hbm>>
      tpu.wait_dma2 semaphore(%run_scoped3A : memref<!tpu.dma_semaphore, #tpu.memory_space<semaphore_mem>>) src(%dma_wait3A_16 : memref<640x128xf32, #tpu.memory_space<hbm>>) dst(%dma_wait3A_14 : memref<640x128xf32, #tpu.memory_space<vmem_shared>>)
      tpu.yield
    }) : () -> ()
    "tpu.region"() ({
      %run_scoped3A = tpu.sem_alloc : memref<!tpu.dma_semaphore, #tpu.memory_space<semaphore_mem>>
      tpu.enqueue_dma source(%arg4 : memref<128x128xf32, #tpu.memory_space<hbm>>) target(%arg7 : memref<128x128xf32, #tpu.memory_space<vmem>>) target_semaphore(%run_scoped3A : memref<!tpu.dma_semaphore, #tpu.memory_space<semaphore_mem>>)
      tpu.wait_dma2 semaphore(%run_scoped3A : memref<!tpu.dma_semaphore, #tpu.memory_space<semaphore_mem>>) src(%arg4 : memref<128x128xf32, #tpu.memory_space<hbm>>) dst(%arg7 : memref<128x128xf32, #tpu.memory_space<vmem>>)
      tpu.yield
    }) : () -> ()
    %barrier3A = arith.constant 0 : index
    tpu.barrier barrier_id(%barrier3A)
    %scan3A = arith.constant 0 : i32
    %scan3A_5 = arith.constant 0 : i32
    %scan3A_6 = arith.constant 80 : i32
    %scan3A_7 = arith.addi %scan3A_5, %scan3A_6 : i32
    %scan3A_8 = arith.constant 1 : i32
    scf.for %scan3A_11 = %scan3A_5 to %scan3A_7 step %scan3A_8  : i32 {
      "tpu.region"() ({
        %run_scoped3A = tpu.sem_alloc : memref<!tpu.dma_semaphore, #tpu.memory_space<semaphore_mem>>
        %dma_start3A = arith.constant 0 : i32
        %dma_start3A_12 = tpu.memref_slice %arg6[%scan3A_11, %dma_start3A] : memref<80x128xi32, #tpu.memory_space<vmem>> -> memref<1x128xi32, #tpu.memory_space<vmem>>
        %dma_start3A_13 = tpu.memref_squeeze %dma_start3A_12 : memref<1x128xi32, #tpu.memory_space<vmem>> -> memref<128xi32, #tpu.memory_space<vmem>>
        %dma_start3A_14 = arith.constant 0 : i32
        %dma_start3A_15 = arith.constant 0 : i32
        %dma_start3A_16 = tpu.memref_slice %arg8[%dma_start3A_14, %dma_start3A_15] : memref<10240x128xf32, #tpu.memory_space<vmem_shared>> -> memref<10240x128xf32, #tpu.memory_space<vmem_shared>>
        tpu.enqueue_indirect_dma source(%arg7 : memref<128x128xf32, #tpu.memory_space<vmem>>) target(%dma_start3A_16 : memref<10240x128xf32, #tpu.memory_space<vmem_shared>>) offsets(%dma_start3A_13 : memref<128xi32, #tpu.memory_space<vmem>>) semaphore(%run_scoped3A : memref<!tpu.dma_semaphore, #tpu.memory_space<semaphore_mem>>) {add = true}
        %dma_wait3A = arith.constant 0 : i32
        %dma_wait3A_17 = tpu.memref_slice %arg6[%scan3A_11, %dma_wait3A] : memref<80x128xi32, #tpu.memory_space<vmem>> -> memref<1x128xi32, #tpu.memory_space<vmem>>
        %dma_wait3A_18 = tpu.memref_squeeze %dma_wait3A_17 : memref<1x128xi32, #tpu.memory_space<vmem>> -> memref<128xi32, #tpu.memory_space<vmem>>
        %dma_wait3A_19 = arith.constant 0 : i32
        %dma_wait3A_20 = arith.constant 0 : i32
        %dma_wait3A_21 = tpu.memref_slice %arg8[%dma_wait3A_19, %dma_wait3A_20] : memref<10240x128xf32, #tpu.memory_space<vmem_shared>> -> memref<10240x128xf32, #tpu.memory_space<vmem_shared>>
        tpu.wait_indirect_dma semaphore(%run_scoped3A : memref<!tpu.dma_semaphore, #tpu.memory_space<semaphore_mem>>) src(%arg7 : memref<128x128xf32, #tpu.memory_space<vmem>>) dst(%dma_wait3A_21 : memref<10240x128xf32, #tpu.memory_space<vmem_shared>>)
        tpu.yield
      }) : () -> ()
    }
    %scan3A_9 = arith.constant 80 : i32
    %barrier3A_10 = arith.constant 0 : index
    tpu.barrier barrier_id(%barrier3A_10)
    "tpu.region"() ({
      %run_scoped3A = tpu.sem_alloc : memref<!tpu.dma_semaphore, #tpu.memory_space<semaphore_mem>>
      %dma_start3A = arith.constant 0 : i32
      %dma_start3A_11 = tpu.memref_slice %arg5[%arg0, %mul3A_2, %dma_start3A] : memref<2x10240x128xf32, #tpu.memory_space<hbm>> -> memref<1x640x128xf32, #tpu.memory_space<hbm>>
      %dma_start3A_12 = tpu.memref_squeeze %dma_start3A_11 : memref<1x640x128xf32, #tpu.memory_space<hbm>> -> memref<640x128xf32, #tpu.memory_space<hbm>>
      %dma_start3A_13 = arith.constant 0 : i32
      %dma_start3A_14 = tpu.memref_slice %arg8[%mul3A_2, %dma_start3A_13] : memref<10240x128xf32, #tpu.memory_space<vmem_shared>> -> memref<640x128xf32, #tpu.memory_space<vmem_shared>>
      tpu.enqueue_dma source(%dma_start3A_14 : memref<640x128xf32, #tpu.memory_space<vmem_shared>>) target(%dma_start3A_12 : memref<640x128xf32, #tpu.memory_space<hbm>>) target_semaphore(%run_scoped3A : memref<!tpu.dma_semaphore, #tpu.memory_space<semaphore_mem>>)
      %dma_wait3A = arith.constant 0 : i32
      %dma_wait3A_15 = tpu.memref_slice %arg5[%arg0, %mul3A_2, %dma_wait3A] : memref<2x10240x128xf32, #tpu.memory_space<hbm>> -> memref<1x640x128xf32, #tpu.memory_space<hbm>>
      %dma_wait3A_16 = tpu.memref_squeeze %dma_wait3A_15 : memref<1x640x128xf32, #tpu.memory_space<hbm>> -> memref<640x128xf32, #tpu.memory_space<hbm>>
      %dma_wait3A_17 = arith.constant 0 : i32
      %dma_wait3A_18 = tpu.memref_slice %arg8[%mul3A_2, %dma_wait3A_17] : memref<10240x128xf32, #tpu.memory_space<vmem_shared>> -> memref<640x128xf32, #tpu.memory_space<vmem_shared>>
      tpu.wait_dma2 semaphore(%run_scoped3A : memref<!tpu.dma_semaphore, #tpu.memory_space<semaphore_mem>>) src(%dma_wait3A_18 : memref<640x128xf32, #tpu.memory_space<vmem_shared>>) dst(%dma_wait3A_16 : memref<640x128xf32, #tpu.memory_space<hbm>>)
      tpu.yield
    }) : () -> ()
    return
  }
}

</mosaic_0001>

<sc_bundles>
// kernel: _sc_degree.3.cloned.1.call-start
scs
__scs_entry_jumppad:
0x0: {  	(pc) =	sbr.rel $0x88, $3  }
0x1: {  	(tag) =	ssettag $0x0;
	lr =	simm.s32 $0x1  }
0x2: {  	[smem:$0x3F9E] =	sst lr;
	_ =	strace $0xD0000000  }
0x3: {  	_ = 	snop  }
0x4: {  	_ = 	snop  }
0x5: {  	_ = 	snop  }
0x6: {  	_ = 	snop  }
0x7: {  	_ = 	snop  }
__scs_overlays_trampoline_lowered:
0x8: {  	[smem:$0x3FAD] =	sst s0  }
0x9: {  	[smem:$0x3FAE] =	sst s1  }
0xa: {  	[smem:$0x3FAF] =	sst s2  }
0xb: {  	[smem:$0x3FB0] =	sst s3  }
0xc: {  	[smem:$0x3FB1] =	sst s4  }
0xd: {  	[smem:$0x3FB2] =	sst s5  }
0xe: {  	[smem:$0x3FB3] =	sst s6  }
0xf: {  	[smem:$0x3FB4] =	sst s7  }
0x10: {  	[smem:$0x3FB5] =	sst s8  }
0x11: {  	[smem:$0x3FB6] =	sst s9;
	s0 =	simm.s32 @!p0 $0x0  }
0x12: {  	s1 =	sld [smem:$0x3F9C];
	s0 =	simm.s32 @p0 $0x1  }
0x13: {  	[smem:$0x3FB7] =	sst s0;
	s0 =	simm.s32 @!p1 $0x0  }
0x14: {  	s2 =	sld [smem:$0x3F9B];
	s0 =	simm.s32 @p1 $0x1  }
0x15: {  	[smem:$0x3FB8] =	sst s0;
	s0 =	simm.s32 @!p2 $0x0  }
0x16: {  	s3 =	sld [smem:$0x3FDB];
	s0 =	simm.s32 @p2 $0x1  }
0x17: {  	s4 =	simm.s32 $0x1BF5;
	[smem:$0x3FBA] =	sst s0  }
0x18: {  	s0 =	sld [smem:$0x3F9D];
	_ =	swait.ge [sflag:s4], $0x0  }
0x19: {  	s7 =	sld [smem:$0x3F9E]  }
0x1a: {  	s8 =	sadd.s32 $0xFFFFE003, lr  }
0x1b: {  	s9 =	sadd.s32 $0xFFFFFEF7, lr;
	s5 =	simm.s32 $0xFFFFFFFF;
	p2 =	slt.u32 s8, $0xFFFFF086  }
0x1c: {  	p1 =	slt.u32 s9, $0xF7A;
	s5 =	simm.s32 @!p2 $0x0  }
0x1d: {  	s5 =	simm.s32 @p1 $0x1;
	p0 =	seq.s32 s7, s2  }
0x1e: {  	s7 =	smul.u32 @!p0 $0xF7A, s2;
	p2 =	seq.s32 @!p0 s5, $0x0  }
0x1f: {  	s9 =	smul.u32 $0xF7A, s1;
	s8 =	simm.s32 @!p0 $0x1BF5;
	p2 =	por !p2, p0  }
0x20: {  	[sflag:s8] =	ssyncset.s32 @!p0 $0xFFFFF086;
	s6 =	sadd.s32 @!p0 s3, s7;
	s7 =	simm.s32 @!p0 $0x108  }
0x21: {  	s3 =	sadd.s32 s3, s9;
	s6 =	sadd.s32 @!p0 $0x88, s6;
	s7 =	simm.s32 @p2 $0x1082  }
0x22: {  	[simem:s7], [sflag:s8] =	dma.local @!p0 [hbm:s6], $0xF7A  }
0x23: {  	s9 =	sor.u32 $0xD0000000, s2;
	s6 =	simm.s32 $0x108;
	_ =	swait.ge @!p0 [sflag:s8], $0x0  }
0x24: {  	s3 =	sadd.s32 $0x88, s3;
	s6 =	simm.s32 @!p1 $0x1082;
	[sflag:s4] =	ssyncset.s32 $0xFFFFF086  }
0x25: {  	[simem:s6], [sflag:s4] =	dma.local [hbm:s3], $0xF7A  }
0x26: {  	[smem:$0x3F9E] =	sst s1;
	(tag) =	ssettag s2;
	_ =	strace s9  }
0x27: {  	s1 =	sld [smem:$0x3FAE]  }
0x28: {  	s2 =	sld [smem:$0x3FAF]  }
0x29: {  	s4 =	sld [smem:$0x3FB1]  }
0x2a: {  	p0 =	seq.s32 s5, $0x0;
	s5 =	sld [smem:$0x3FB2]  }
0x2b: {  	s6 =	sld [smem:$0x3FB3]  }
0x2c: {  	s7 =	sld [smem:$0x3FB4]  }
0x2d: {  	s3 =	simm.s32 $0x108;
	s8 =	sld [smem:$0x3FB5]  }
0x2e: {  	s3 =	simm.s32 @!p0 $0x1082;
	s9 =	sld [smem:$0x3FB6]  }
0x2f: {  	lr =	sadd.s32 s0, s3;
	s0 =	sld [smem:$0x3FAD]  }
0x30: {  	s3 =	sld [smem:$0x3FB0]  }
0x31: {  	[smem:$0x3FB9] =	sst s10  }
0x32: {  	s10 =	sld [smem:$0x3FB7];
	_ =	sdelay $0x3  }
0x33: {  	p0 =	seq.s32 s10, $0x1;
	s10 =	sld [smem:$0x3FB9];
	_ =	sdelay $0x3  }
0x34: {  	[smem:$0x3FB9] =	sst s10  }
0x35: {  	s10 =	sld [smem:$0x3FB8];
	_ =	sdelay $0x3  }
0x36: {  	p1 =	seq.s32 s10, $0x1;
	s10 =	sld [smem:$0x3FB9];
	_ =	sdelay $0x3  }
0x37: {  	[smem:$0x3FB9] =	sst s10  }
0x38: {  	s10 =	sld [smem:$0x3FBA]  }
0x39: {  	_ = 	snop;
	(pc) =	sbr.ind lr, $3  }
0x3a: {  	_ = 	snop  }
0x3b: {  	_ = 	snop  }
0x3c: {  	p2 =	seq.s32 s10, $0x1;
	s10 =	sld [smem:$0x3FB9]  }
0x3d: {  	_ =	shalt  }
0x3e: {  	_ =	shalt  }
0x3f: {  	_ =	shalt  }
0x40: {  	_ =	shalt  }
0x41: {  	_ =	shalt  }
0x42: {  	_ =	shalt  }
0x43: {  	_ =	shalt  }
0x44: {  	_ =	shalt  }
0x45: {  	_ =	shalt  }
0x46: {  	_ =	shalt  }
0x47: {  	_ =	shalt  }
0x48: {  	_ =	shalt  }
0x49: {  	_ =	shalt  }
0x4a: {  	_ =	shalt  }
0x4b: {  	_ =	shalt  }
0x4c: {  	_ =	shalt  }
0x4d: {  	_ =	shalt  }
0x4e: {  	_ =	shalt  }
0x4f: {  	_ =	shalt  }
0x50: {  	_ =	shalt  }
0x51: {  	_ =	shalt  }
0x52: {  	_ =	shalt  }
0x53: {  	_ =	shalt  }
0x54: {  	_ =	shalt  }
0x55: {  	_ =	shalt  }
0x56: {  	_ =	shalt  }
0x57: {  	_ =	shalt  }
0x58: {  	_ =	shalt  }
0x59: {  	_ =	shalt  }
0x5a: {  	_ =	shalt  }
0x5b: {  	_ =	shalt  }
0x5c: {  	_ =	shalt  }
0x5d: {  	_ =	shalt  }
0x5e: {  	_ =	shalt  }
0x5f: {  	_ =	shalt  }
0x60: {  	_ =	shalt  }
0x61: {  	_ =	shalt  }
0x62: {  	_ =	shalt  }
0x63: {  	_ =	shalt  }
0x64: {  	_ =	shalt  }
0x65: {  	_ =	shalt  }
0x66: {  	_ =	shalt  }
0x67: {  	_ =	shalt  }
0x68: {  	_ =	shalt  }
0x69: {  	_ =	shalt  }
0x6a: {  	_ =	shalt  }
0x6b: {  	_ =	shalt  }
0x6c: {  	_ =	shalt  }
0x6d: {  	_ =	shalt  }
0x6e: {  	_ =	shalt  }
0x6f: {  	_ =	shalt  }
0x70: {  	_ =	shalt  }
0x71: {  	_ =	shalt  }
0x72: {  	_ =	shalt  }
0x73: {  	_ =	shalt  }
0x74: {  	_ =	shalt  }
0x75: {  	_ =	shalt  }
0x76: {  	_ =	shalt  }
0x77: {  	_ =	shalt  }
0x78: {  	_ =	shalt  }
0x79: {  	_ =	shalt  }
0x7a: {  	_ =	shalt  }
0x7b: {  	_ =	shalt  }
0x7c: {  	_ =	shalt  }
0x7d: {  	_ =	shalt  }
0x7e: {  	_ =	shalt  }
0x7f: {  	_ =	shalt  }
0x80: {  	_ =	shalt  }
0x81: {  	_ =	shalt  }
0x82: {  	_ =	shalt  }
0x83: {  	_ =	shalt  }
0x84: {  	_ =	shalt  }
0x85: {  	_ =	shalt  }
0x86: {  	_ =	shalt  }
0x87: {  	_ =	shalt  }
.Lfunc_end0:
.L_simem_size_0:
called_computation_lowered:
.L_overlay_start_0:
0x88: {  	s2 =	sld [smem:$0x3FD9]  }
0x89: {  	s3 =	sld [smem:$0x3FFE];
	_ =	sdelay $0x1  }
0x8a: {  	s1 =	srdreg.scid  }
0x8b: {  	s0 =	sand.u32 $0x1, s1  }
0x8c: {  	s18 =	sshll.u32 s0, $0xA;
	s2 =	sadd.s32 s3, s2  }
0x8d: {  	s2 =	sadd.s32 s2, s18  }
0x8e: {  	[smem:$0x3FC5] =	sst s2  }
0x8f: {  	_ = 	snop  }
0x90: {  	s2 =	sld [smem:$0x3FC9]  }
0x91: {  	s19 =	sld [smem:$0x3FC8]  }
0x92: {  	s4 =	sld [smem:$0x3FC7]  }
0x93: {  	s5 =	sld [smem:$0x3FD0];
	(tm) =	ssettm $0x1  }
0x94: {  	s6 =	sld [smem:$0x3FFB];
	_ =	sdelay $0x3  }
0x95: {  	_ =	strace s6  }
0x96: {  	s6 =	sld [smem:$0x3FFC];
	_ =	sdelay $0x3  }
0x97: {  	_ =	strace s6  }
0x98: {  	s6 =	sld [smem:$0x3FFD];
	_ =	sdelay $0x3  }
0x99: {  	_ =	strace s6  }
0x9a: {  	_ =	strace $0x8FFFFFFF  }
0x9b: {  	s20 =	sld [smem:$0x3FDB];
	_ =	sdelay $0x1  }
0x9c: {  	s7 =	simm.s32 $_scs_section_size  }
0x9d: {  	s8 =	simm.s32 $_size__tile_overlayer_lowered;
	s9 =	simm.s32 $_tile_overlayer_lowered  }
0x9e: {  	s23 =	simm.s32 $0x1BFF;
	s22 =	sshll.u32 s9, $0x1;
	s6 =	sadd.s32 s7, s20  }
0x9f: {  	s10 =	simm.s32 $0x0;
	s21 =	sshll.u32 s8, $0x1;
	s8 =	sadd.s32 s22, s6  }
0xa0: {  	[timem:s10], [sflag:s23] =	dma.local [hbm:s8], s21  }
0xa1: {  	_ =	swait.ge [sflag:s23], s21  }
0xa2: {  	s7 =	ssub.s32 $0x0, s21;
	[sflag:s23] =	ssyncset.done $0x0  }
0xa3: {  	[sflag:s23] =	ssyncadd.s32 s7;
	_ =	sdelay $0x1  }
0xa4: {  	s24 =	simm.s32 $0x1B8B  }
0xa5: {  	_ =	swait.ge [sflag:s24], $0x1  }
0xa6: {  	[sflag:s24] =	ssyncset.done $0x0  }
0xa7: {  	s25 =	simm.s32 $0x1B8E;
	[sflag:s24] =	ssyncadd.s32 $0xFFFFFFFF  }
0xa8: {  	s26 =	simm.s32 $execute0_lowered;
	[smem:$0x3FD2] =	sst s25  }
0xa9: {  	s7 =	sshll.u32 s26, $0x1;
	_ =	strace $0x80000046;
	[dreg:$0x1] =	wrdreg $0xFFFFFFFF  }
0xaa: {  	s28 =	simm.s32 $_size_execute0_lowered;
	s6 =	sadd.s32 s6, s7;
	[dreg:$0x0] =	wrdreg $0x0  }
0xab: {  	s7 =	sshll.u32 s28, $0x1;
	[dreg:$0x2] =	wrdreg s6  }
0xac: {  	[dreg:$0x3] =	wrdreg s7  }
0xad: {  	[dreg:$0x4] =	wrdreg $0xC0  }
0xae: {  	_ =	task [dreg:s10], $0x5FFFF  }
0xaf: {  	[dreg:$0x1] =	wrdreg $0xFFFFFFFF  }
0xb0: {  	[dreg:$0x0] =	wrdreg $0x60  }
0xb1: {  	[dreg:$0x2] =	wrdreg s2  }
0xb2: {  	[dreg:$0x3] =	wrdreg s19  }
0xb3: {  	[dreg:$0x4] =	wrdreg s4  }
0xb4: {  	[dreg:$0x5] =	wrdreg s5  }
0xb5: {  	[dreg:$0x6] =	wrdreg $0x68000  }
0xb6: {  	[dreg:$0x7] =	wrdreg $0x9  }
0xb7: {  	_ =	task.clear_ibuf [dreg:s10], $0x8FFFF;
	_ =	strace $0x90000046  }
0xb8: {  	s29 =	simm.s32 $0x9;
	_ =	strace $0x80000048  }
0xb9: {  	_ =	swait.ge [sflag:s29], $0x1  }
0xba: {  	[sflag:s29] =	ssyncadd.s32 $0xFFFFFFFF  }
0xbb: {  	_ =	strace $0x90000048  }
0xbc: {  	_ =	sfence  }
0xbd: {  	s30 =	sld [smem:$0x0];
	_ =	sdelay $0x2  }
0xbe: {  	s31 =	sshll.u32 s1, $0xD;
	s1 =	sshrl.u32 s1, $0x2  }
0xbf: {  	s3 =	sand.u32 $0x4000, s31;
	s1 =	sadd.s32 s1, s30  }
0xc0: {  	s0 =	sor.u32 s3, s0;
	s1 =	sshll.u32 s1, $0x11  }
0xc1: {  	s0 =	sor.u32 s1, s0  }
0xc2: {  	s0 =	sadd.s32 $0x8F2B, s0  }
0xc3: {  	[sflag:s0] =	ssyncadd.remote.s32 $0x1  }
0xc4: {  	_ =	sfence.sel $0xFFFF  }
0xc5: {  	[dreg:$0x0] =	wrdreg $0xFFFFFFFF;
	(pc) =	sbr.abs _section_cstart, $3  }
0xc6: {  	[dreg:$0x1] =	wrdreg $0xFFFFFFFF  }
0xc7: {  	_ =	task.clear_ibuf [dreg:s10], $0x2FFFF;
	_ =	strace $0x9FFFFFFF  }
0xc8: {  	(tm) =	ssettm $0x7FFFFFFF  }
0xc9: {  	_ =	shalt  }
tec
execute0_lowered:
.L_overlay_start_1:
0x0: {  	(tag) =	ssettag $0x1  }
0x1: {  	s5 =	rddreg [dreg:$0x0]  }
0x2: {  	s6 =	rddreg [dreg:$0x1]  }
0x3: {  	s0 =	srdreg.scid;
	s1 =	rddreg [dreg:$0x2]  }
0x4: {  	s8 =	rddreg [dreg:$0x3];
	s7 =	sand.u32 $0x1, s0;
	s0 =	stileid.u32  }
0x5: {  	s3 =	rddreg [dreg:$0x4];
	s4 =	simm.s32 $0x0;
	s10 =	smul.u32 $0x50000, s0  }
0x6: {  	s14 =	simm.s32 $0x0;
	[smem:$0x7FF] =	sst s4;
	s12 =	smul.u32 $0x14000, s0  }
0x7: {  	s2 =	sshll.u32 s7, $0x4;
	s11 =	ssub.s32 $0x2, s7;
	s7 =	smul.u32 $0x140000, s7  }
0x8: {  	s31 =	sshll.u32 s0, $0x6;
	s2 =	sor.u32 s0, s2;
	s13 =	sshrl.u32 s11, $0x1  }
0x9: {  	s9 =	smul.u32 $0x500, s2;
	s2 =	rddreg [dreg:$0x5];
	_ =	strace $0x80000047  }
0xa: {  	s11 =	ssub.s32 s11, s13;
	s28 =	sshrl.u32 s10, $0x2;
	s29 =	sshrl.u32 s12, $0x3  }
0xb: {  	s7 =	sadd.s32 s12, s7;
	s10 =	sor.u32 $0x1C01, s31;
	s12 =	simm.s32 $0x2800  }
0xc: {  	s13 =	simm.s32 $0x80;
	s30 =	sadd.s32 s28, s3;
	s7 =	sshrl.u32 s7, $0x3  }
0xd: {  	s6 =	sadd.s32 s6, s29;
	s5 =	sadd.s32 s5, s9;
	s7 =	sadd.s32 s8, s7  }
0xe: {  	s8 =	smax.u32 s11, $0x1;
	s9 =	simm.s32 $0x1;
	s11 =	sshrl.u32 s30, $0x3  }
.LBB2_1:
0xf: {  	[tilespmem:s4], [sflag:$0x1] =	stream.linear.gather [hbm4b:s5+s4], $0x2800, $0x38;
	[tilespmem:$0x1A800] =	vst v63  }
0x10: {  	_ =	swait.ge [sflag:s9], $0x2800  }
0x11: {  	[sflag:s9] =	ssyncset.done $0x0  }
0x12: {  	[sflag:s9] =	ssyncadd.s32 $0xFFFFD800  }
0x13: {  	[spmem:s11], [sflag:s10] =	dma.local [hbm:s6], $0x2800  }
0x14: {  	_ =	swait.ge [sflag:s9], $0x2800  }
0x15: {  	[sflag:s9] =	ssyncset.done $0x0  }
0x16: {  	[sflag:s9] =	ssyncadd.s32 $0xFFFFD800  }
0x17: {  	[tilespmem:s12], [sflag:$0x1] =	stream.linear.gather [hbm4b:s1+s4], $0x4000, $0x38;
	[tilespmem:$0x1A800] =	vst v63  }
0x18: {  	_ =	swait.ge [sflag:s9], $0x4000  }
0x19: {  	[sflag:s9] =	ssyncset.done $0x0  }
0x1a: {  	[sflag:s9] =	ssyncadd.s32 $0xFFFFC000  }
0x1b: {  	s15 =	simm.s32 $0x0;
	[bflag:$0x0] =	sbarrier.arrive $0xFFFF  }
0x1c: {  	[spmem:s3] =	stream.indirect.scatter.add.f32 [tilespmem:s12], [sflag:$0x1], $0x80, s15, s13, $0xb8;
	[tilespmem:$0x1A800] =	vst v63  }
0x1d: {  	_ =	swait.ge [sflag:s9], $0x4000  }
0x1e: {  	s15 =	simm.s32 $0x200;
	[sflag:s9] =	ssyncset.done $0x0  }
.LBB2_2:
0x1f: {  	s16 =	sshra.s32 s15, $0x2;
	[sflag:s9] =	ssyncadd.s32 $0xFFFFC000;
	p0 =	sne.s32 s15, $0x9E00  }
0x20: {  	[spmem:s3] =	stream.indirect.scatter.add.f32 [tilespmem:s12], [sflag:$0x1], $0x80, s16, s13, $0xb8;
	[tilespmem:$0x1A800] =	vst v63  }
.Ltmp0:
0x21: {  	_ = 	snop;
	(pc) =	sbr.rel @p0 .LBB2_2-.Ltmp0, $4  }
0x22: {  	_ = 	snop  }
0x23: {  	s15 =	sadd.s32 $0x200, s15  }
0x24: {  	_ =	swait.ge [sflag:s9], $0x4000  }
0x25: {  	[sflag:s9] =	ssyncset.done $0x0  }
0x26: {  	s14 =	sadd.s32 $0x1, s14  }
0x27: {  	[sflag:s9] =	ssyncadd.s32 $0xFFFFC000;
	p0 =	sne.s32 s14, s8  }
.Ltmp1:
0x28: {  	[bflag:$0x0] =	sbarrier.arrive $0xFFFF;
	(pc) =	sbr.rel @p0 .LBB2_1-.Ltmp1, $4  }
0x29: {  	[hbm:s7], [sflag:s10] =	dma.local [spmem:s11], $0x2800  }
0x2a: {  	_ =	swait.ge [sflag:s9], $0x2800  }
0x2b: {  	[sflag:s9] =	ssyncset.done $0x0  }
0x2c: {  	[sflag:s9] =	ssyncadd.s32 $0xFFFFD800  }
0x2d: {  	_ =	sfence.sel $0x180000  }
0x2e: {  	[bflag:$0x0] =	sbarrier.arrive $0xFFFF  }
0x2f: {  	p0 =	sne.s32 s0, $0x0;
	_ =	strace $0x90000047  }
0x30: {  	s0 =	sadd.s32 @!p0 $0x100000, s2;
	[bflag:$0x2] =	sbarrier.arrive $0xFFFF  }
0x31: {  	[sflag:s0] =	ssyncadd.tile.s32 @!p0 $0x1;
	_ =	shalt  }
.Lfunc_end2:
_tile_overlayer_lowered:
.L_overlay_start_2:
0x32: {  	(tag) =	ssettag $0x2  }
0x33: {  	s0 =	rddreg [dreg:$0x0];
	s2 =	stileid.u32  }
0x34: {  	s1 =	rddreg [dreg:$0x1];
	p0 =	sne.s32 s2, $0x0  }
0x35: {  	s3 =	rddreg [dreg:$0x2];
	[bflag:$0x3] =	sbarrier.arrive $0xFFFF;
	s2 =	simm.s32 @!p0 $0x1C01  }
0x36: {  	[timem:s3], [sflag:s2] =	dma.local @!p0 [hbm:s0], s1  }
0x37: {  	s0 =	simm.s32 @!p0 $0x1  }
0x38: {  	_ =	swait.ge @!p0 [sflag:s0], s1  }
0x39: {  	s1 =	ssub.s32 @!p0 $0x0, s1;
	[sflag:s0] =	ssyncset.done @!p0 $0x0  }
0x3a: {  	[sflag:s0] =	ssyncadd.s32 @!p0 s1  }
0x3b: {  	[bflag:$0x3] =	sbarrier.arrive $0xFFFF  }
0x3c: {  	_ =	shalt  }

</sc_bundles>
